<compile_context>
chip_gen: v7x
topology: tpu7x:2x2x1
jax: 0.10.2.dev20260603
libtpu: 0.0.44.dev20260713+nightly
codegen_flags: <defaults>
</compile_context>

<pallas_src>
import functools

import jax
import jax.numpy as jnp
from jax import lax
from jax.experimental import pallas as pl
from jax.experimental.pallas import tpu as pltpu
from jax.experimental.pallas import tpu_sc as plsc

NC = 2
NS = 16
NW = NC * NS
NSPLIT = 4


@functools.lru_cache(maxsize=None)
def _make_gather(n, vocab, d, chunk):
    per_w = n // NW
    n_chunks = per_w // chunk
    sub = chunk // NSPLIT
    assert per_w % chunk == 0 and chunk % NSPLIT == 0 and sub % 8 == 0
    mesh = plsc.VectorSubcoreMesh(
        core_axis_name="c", subcore_axis_name="s",
        num_cores=NC, num_subcores=NS,
    )

    @functools.partial(
        pl.kernel,
        out_type=jax.ShapeDtypeStruct((n, d), jnp.float32),
        mesh=mesh,
        scratch_types=(
            [pltpu.VMEM((sub,), jnp.int32) for _ in range(NSPLIT)]
            + [pltpu.VMEM((sub, d), jnp.float32) for _ in range(NSPLIT)]
            + [pltpu.SemaphoreType.DMA]
        ),
        compiler_params=pltpu.CompilerParams(use_tc_tiling_on_sc=False),
    )
    def gather(x_hbm, table_hbm, out_hbm, *scratch):
        idx_v = scratch[:NSPLIT]
        rows_v = scratch[NSPLIT:2 * NSPLIT]
        sem = scratch[2 * NSPLIT]
        wid = lax.axis_index("s") * NC + lax.axis_index("c")
        base = wid * per_w

        @pl.loop(0, n_chunks)
        def _(i):
            off = base + i * chunk
            for g in range(NSPLIT):
                pltpu.sync_copy(
                    x_hbm.at[pl.ds(off + g * sub, sub)], idx_v[g])
            descs = [
                pltpu.make_async_copy(
                    table_hbm.at[idx_v[g]], rows_v[g], sem)
                for g in range(NSPLIT)
            ]
            for d_ in descs:
                d_.start()
            for d_ in descs:
                d_.wait()
            for g in range(NSPLIT):
                pltpu.sync_copy(
                    rows_v[g], out_hbm.at[pl.ds(off + g * sub, sub)])

    return gather


@jax.jit
def kernel(x, table):
    b, t = x.shape
    vocab, d = table.shape
    xf = x.reshape(-1).astype(jnp.int32)
    out = _make_gather(b * t, vocab, d, 12800)(xf, table)
    return out.reshape(b, t, d)

# --- scband reference (transcript-rebuilt; emitter-appended) ---
"""Pipeline reference for scband-arithmetic-embedding-layer-39711267619091 (READ-ONLY COPY).

The authoritative reference and input builder live on the scoring server;
editing this copy changes nothing except your own understanding.
"""

import jax, jax.numpy as jnp
import numpy as np

VOCAB = 1000000
EMB = 3

def setup_inputs(seed: int = 0) -> dict:
    key = jax.random.key(seed)
    k1, k2 = jax.random.split(key)
    x = jax.random.randint(k1, (16384, 200), 0, VOCAB, dtype=jnp.int64 if jax.config.jax_enable_x64 else jnp.int32)
    table = jax.random.normal(k2, (VOCAB, EMB), dtype=jnp.float32)
    # match torch module's hardcoded row initialization
    table = table.at[0].set(jnp.array([1.0, 0.5, 0.1], dtype=jnp.float32))
    table = table.at[1].set(jnp.array([1.1, 0.6, 0.1], dtype=jnp.float32))
    return {"x": x, "table": table}

def reference(x, table):
    # nn.Embedding lookup: gather rows of the table
    return jnp.take(table, x, axis=0)

if __name__ == "__main__":
    import jax
    _d = setup_inputs()
    print(jax.jit(kernel)(*tuple(_d.values())))

</pallas_src>

<mosaic_0001>
#map = affine_map<(d0, d1) -> (0)>
#map1 = affine_map<(d0, d1) -> (0, 0)>
module attributes {stable_mosaic.version = 14 : i64} {
  func.func @gather(%arg0: i32, %arg1: i32, %arg2: memref<3276800xi32, #tpu.memory_space<hbm>>, %arg3: memref<1000000x3xf32, #tpu.memory_space<hbm>>, %arg4: memref<3276800x3xf32, #tpu.memory_space<hbm>>, %arg5: memref<3200xi32, #tpu.memory_space<vmem>>, %arg6: memref<3200xi32, #tpu.memory_space<vmem>>, %arg7: memref<3200xi32, #tpu.memory_space<vmem>>, %arg8: memref<3200xi32, #tpu.memory_space<vmem>>, %arg9: memref<3200x3xf32, #tpu.memory_space<vmem>>, %arg10: memref<3200x3xf32, #tpu.memory_space<vmem>>, %arg11: memref<3200x3xf32, #tpu.memory_space<vmem>>, %arg12: memref<3200x3xf32, #tpu.memory_space<vmem>>, %arg13: memref<!tpu.dma_semaphore, #tpu.memory_space<semaphore_mem>>) attributes {dimension_semantics = [#tpu.dimension_semantics<core_parallel>, #tpu.dimension_semantics<subcore_parallel>], iteration_bounds = array<i64: 2, 16>, scalar_prefetch = 0 : i64, scratch_operands = 9 : i64, tpu.core_type = #tpu.core_type<sc_vector_subcore>, window_params = [{transform_indices = #map}, {transform_indices = #map1}, {transform_indices = #map1}]} {
    %mul3A = arith.constant 2 : i32
    %mul3A_0 = arith.muli %arg1, %mul3A : i32
    %add3A = arith.addi %mul3A_0, %arg0 : i32
    %mul3A_1 = arith.constant 102400 : i32
    %mul3A_2 = arith.muli %add3A, %mul3A_1 : i32
    %scan3A = arith.constant 0 : i32
    %scan3A_3 = arith.constant 8 : i32
    %scan3A_4 = arith.addi %scan3A, %scan3A_3 : i32
    %scan3A_5 = arith.constant 1 : i32
    scf.for %scan3A_7 = %scan3A to %scan3A_4 step %scan3A_5  : i32 {
      %mul3A_8 = arith.constant 1 : i32
      %mul3A_9 = arith.muli %scan3A_7, %mul3A_8 : i32
      %add3A_10 = arith.constant 0 : i32
      %add3A_11 = arith.addi %add3A_10, %mul3A_9 : i32
      %mul3A_12 = arith.constant 12800 : i32
      %mul3A_13 = arith.muli %add3A_11, %mul3A_12 : i32
      %add3A_14 = arith.addi %mul3A_2, %mul3A_13 : i32
      %add3A_15 = arith.constant 0 : i32
      %add3A_16 = arith.addi %add3A_14, %add3A_15 : i32
      "tpu.region"() ({
        %run_scoped3A = tpu.sem_alloc : memref<!tpu.dma_semaphore, #tpu.memory_space<semaphore_mem>>
        %dma_start3A_53 = tpu.memref_slice %arg2[%add3A_16] : memref<3276800xi32, #tpu.memory_space<hbm>> -> memref<3200xi32, #tpu.memory_space<hbm>>
        %dma_start3A_54 = tpu.memref_slice %arg2[%add3A_16] : memref<3276800xi32, #tpu.memory_space<hbm>> -> memref<3200xi32, #tpu.memory_space<hbm>>
        tpu.enqueue_dma source(%dma_start3A_54 : memref<3200xi32, #tpu.memory_space<hbm>>) target(%arg5 : memref<3200xi32, #tpu.memory_space<vmem>>) target_semaphore(%run_scoped3A : memref<!tpu.dma_semaphore, #tpu.memory_space<semaphore_mem>>)
        %dma_wait3A_55 = tpu.memref_slice %arg2[%add3A_16] : memref<3276800xi32, #tpu.memory_space<hbm>> -> memref<3200xi32, #tpu.memory_space<hbm>>
        %dma_wait3A_56 = tpu.memref_slice %arg2[%add3A_16] : memref<3276800xi32, #tpu.memory_space<hbm>> -> memref<3200xi32, #tpu.memory_space<hbm>>
        tpu.wait_dma2 semaphore(%run_scoped3A : memref<!tpu.dma_semaphore, #tpu.memory_space<semaphore_mem>>) src(%dma_wait3A_56 : memref<3200xi32, #tpu.memory_space<hbm>>) dst(%arg5 : memref<3200xi32, #tpu.memory_space<vmem>>)
        tpu.yield
      }) : () -> ()
      %add3A_17 = arith.constant 3200 : i32
      %add3A_18 = arith.addi %add3A_14, %add3A_17 : i32
      "tpu.region"() ({
        %run_scoped3A = tpu.sem_alloc : memref<!tpu.dma_semaphore, #tpu.memory_space<semaphore_mem>>
        %dma_start3A_53 = tpu.memref_slice %arg2[%add3A_18] : memref<3276800xi32, #tpu.memory_space<hbm>> -> memref<3200xi32, #tpu.memory_space<hbm>>
        %dma_start3A_54 = tpu.memref_slice %arg2[%add3A_18] : memref<3276800xi32, #tpu.memory_space<hbm>> -> memref<3200xi32, #tpu.memory_space<hbm>>
        tpu.enqueue_dma source(%dma_start3A_54 : memref<3200xi32, #tpu.memory_space<hbm>>) target(%arg6 : memref<3200xi32, #tpu.memory_space<vmem>>) target_semaphore(%run_scoped3A : memref<!tpu.dma_semaphore, #tpu.memory_space<semaphore_mem>>)
        %dma_wait3A_55 = tpu.memref_slice %arg2[%add3A_18] : memref<3276800xi32, #tpu.memory_space<hbm>> -> memref<3200xi32, #tpu.memory_space<hbm>>
        %dma_wait3A_56 = tpu.memref_slice %arg2[%add3A_18] : memref<3276800xi32, #tpu.memory_space<hbm>> -> memref<3200xi32, #tpu.memory_space<hbm>>
        tpu.wait_dma2 semaphore(%run_scoped3A : memref<!tpu.dma_semaphore, #tpu.memory_space<semaphore_mem>>) src(%dma_wait3A_56 : memref<3200xi32, #tpu.memory_space<hbm>>) dst(%arg6 : memref<3200xi32, #tpu.memory_space<vmem>>)
        tpu.yield
      }) : () -> ()
      %add3A_19 = arith.constant 6400 : i32
      %add3A_20 = arith.addi %add3A_14, %add3A_19 : i32
      "tpu.region"() ({
        %run_scoped3A = tpu.sem_alloc : memref<!tpu.dma_semaphore, #tpu.memory_space<semaphore_mem>>
        %dma_start3A_53 = tpu.memref_slice %arg2[%add3A_20] : memref<3276800xi32, #tpu.memory_space<hbm>> -> memref<3200xi32, #tpu.memory_space<hbm>>
        %dma_start3A_54 = tpu.memref_slice %arg2[%add3A_20] : memref<3276800xi32, #tpu.memory_space<hbm>> -> memref<3200xi32, #tpu.memory_space<hbm>>
        tpu.enqueue_dma source(%dma_start3A_54 : memref<3200xi32, #tpu.memory_space<hbm>>) target(%arg7 : memref<3200xi32, #tpu.memory_space<vmem>>) target_semaphore(%run_scoped3A : memref<!tpu.dma_semaphore, #tpu.memory_space<semaphore_mem>>)
        %dma_wait3A_55 = tpu.memref_slice %arg2[%add3A_20] : memref<3276800xi32, #tpu.memory_space<hbm>> -> memref<3200xi32, #tpu.memory_space<hbm>>
        %dma_wait3A_56 = tpu.memref_slice %arg2[%add3A_20] : memref<3276800xi32, #tpu.memory_space<hbm>> -> memref<3200xi32, #tpu.memory_space<hbm>>
        tpu.wait_dma2 semaphore(%run_scoped3A : memref<!tpu.dma_semaphore, #tpu.memory_space<semaphore_mem>>) src(%dma_wait3A_56 : memref<3200xi32, #tpu.memory_space<hbm>>) dst(%arg7 : memref<3200xi32, #tpu.memory_space<vmem>>)
        tpu.yield
      }) : () -> ()
      %add3A_21 = arith.constant 9600 : i32
      %add3A_22 = arith.addi %add3A_14, %add3A_21 : i32
      "tpu.region"() ({
        %run_scoped3A = tpu.sem_alloc : memref<!tpu.dma_semaphore, #tpu.memory_space<semaphore_mem>>
        %dma_start3A_53 = tpu.memref_slice %arg2[%add3A_22] : memref<3276800xi32, #tpu.memory_space<hbm>> -> memref<3200xi32, #tpu.memory_space<hbm>>
        %dma_start3A_54 = tpu.memref_slice %arg2[%add3A_22] : memref<3276800xi32, #tpu.memory_space<hbm>> -> memref<3200xi32, #tpu.memory_space<hbm>>
        tpu.enqueue_dma source(%dma_start3A_54 : memref<3200xi32, #tpu.memory_space<hbm>>) target(%arg8 : memref<3200xi32, #tpu.memory_space<vmem>>) target_semaphore(%run_scoped3A : memref<!tpu.dma_semaphore, #tpu.memory_space<semaphore_mem>>)
        %dma_wait3A_55 = tpu.memref_slice %arg2[%add3A_22] : memref<3276800xi32, #tpu.memory_space<hbm>> -> memref<3200xi32, #tpu.memory_space<hbm>>
        %dma_wait3A_56 = tpu.memref_slice %arg2[%add3A_22] : memref<3276800xi32, #tpu.memory_space<hbm>> -> memref<3200xi32, #tpu.memory_space<hbm>>
        tpu.wait_dma2 semaphore(%run_scoped3A : memref<!tpu.dma_semaphore, #tpu.memory_space<semaphore_mem>>) src(%dma_wait3A_56 : memref<3200xi32, #tpu.memory_space<hbm>>) dst(%arg8 : memref<3200xi32, #tpu.memory_space<vmem>>)
        tpu.yield
      }) : () -> ()
      %dma_start3A = arith.constant 0 : i32
      %dma_start3A_23 = arith.constant 0 : i32
      %dma_start3A_24 = tpu.memref_slice %arg3[%dma_start3A, %dma_start3A_23] : memref<1000000x3xf32, #tpu.memory_space<hbm>> -> memref<1000000x3xf32, #tpu.memory_space<hbm>>
      tpu.enqueue_indirect_dma source(%dma_start3A_24 : memref<1000000x3xf32, #tpu.memory_space<hbm>>) target(%arg9 : memref<3200x3xf32, #tpu.memory_space<vmem>>) offsets(%arg5 : memref<3200xi32, #tpu.memory_space<vmem>>) semaphore(%arg13 : memref<!tpu.dma_semaphore, #tpu.memory_space<semaphore_mem>>)
      %dma_start3A_25 = arith.constant 0 : i32
      %dma_start3A_26 = arith.constant 0 : i32
      %dma_start3A_27 = tpu.memref_slice %arg3[%dma_start3A_25, %dma_start3A_26] : memref<1000000x3xf32, #tpu.memory_space<hbm>> -> memref<1000000x3xf32, #tpu.memory_space<hbm>>
      tpu.enqueue_indirect_dma source(%dma_start3A_27 : memref<1000000x3xf32, #tpu.memory_space<hbm>>) target(%arg10 : memref<3200x3xf32, #tpu.memory_space<vmem>>) offsets(%arg6 : memref<3200xi32, #tpu.memory_space<vmem>>) semaphore(%arg13 : memref<!tpu.dma_semaphore, #tpu.memory_space<semaphore_mem>>)
      %dma_start3A_28 = arith.constant 0 : i32
      %dma_start3A_29 = arith.constant 0 : i32
      %dma_start3A_30 = tpu.memref_slice %arg3[%dma_start3A_28, %dma_start3A_29] : memref<1000000x3xf32, #tpu.memory_space<hbm>> -> memref<1000000x3xf32, #tpu.memory_space<hbm>>
      tpu.enqueue_indirect_dma source(%dma_start3A_30 : memref<1000000x3xf32, #tpu.memory_space<hbm>>) target(%arg11 : memref<3200x3xf32, #tpu.memory_space<vmem>>) offsets(%arg7 : memref<3200xi32, #tpu.memory_space<vmem>>) semaphore(%arg13 : memref<!tpu.dma_semaphore, #tpu.memory_space<semaphore_mem>>)
      %dma_start3A_31 = arith.constant 0 : i32
      %dma_start3A_32 = arith.constant 0 : i32
      %dma_start3A_33 = tpu.memref_slice %arg3[%dma_start3A_31, %dma_start3A_32] : memref<1000000x3xf32, #tpu.memory_space<hbm>> -> memref<1000000x3xf32, #tpu.memory_space<hbm>>
      tpu.enqueue_indirect_dma source(%dma_start3A_33 : memref<1000000x3xf32, #tpu.memory_space<hbm>>) target(%arg12 : memref<3200x3xf32, #tpu.memory_space<vmem>>) offsets(%arg8 : memref<3200xi32, #tpu.memory_space<vmem>>) semaphore(%arg13 : memref<!tpu.dma_semaphore, #tpu.memory_space<semaphore_mem>>)
      %dma_wait3A = arith.constant 0 : i32
      %dma_wait3A_34 = arith.constant 0 : i32
      %dma_wait3A_35 = tpu.memref_slice %arg3[%dma_wait3A, %dma_wait3A_34] : memref<1000000x3xf32, #tpu.memory_space<hbm>> -> memref<1000000x3xf32, #tpu.memory_space<hbm>>
      tpu.wait_indirect_dma semaphore(%arg13 : memref<!tpu.dma_semaphore, #tpu.memory_space<semaphore_mem>>) src(%dma_wait3A_35 : memref<1000000x3xf32, #tpu.memory_space<hbm>>) dst(%arg9 : memref<3200x3xf32, #tpu.memory_space<vmem>>)
      %dma_wait3A_36 = arith.constant 0 : i32
      %dma_wait3A_37 = arith.constant 0 : i32
      %dma_wait3A_38 = tpu.memref_slice %arg3[%dma_wait3A_36, %dma_wait3A_37] : memref<1000000x3xf32, #tpu.memory_space<hbm>> -> memref<1000000x3xf32, #tpu.memory_space<hbm>>
      tpu.wait_indirect_dma semaphore(%arg13 : memref<!tpu.dma_semaphore, #tpu.memory_space<semaphore_mem>>) src(%dma_wait3A_38 : memref<1000000x3xf32, #tpu.memory_space<hbm>>) dst(%arg10 : memref<3200x3xf32, #tpu.memory_space<vmem>>)
      %dma_wait3A_39 = arith.constant 0 : i32
      %dma_wait3A_40 = arith.constant 0 : i32
      %dma_wait3A_41 = tpu.memref_slice %arg3[%dma_wait3A_39, %dma_wait3A_40] : memref<1000000x3xf32, #tpu.memory_space<hbm>> -> memref<1000000x3xf32, #tpu.memory_space<hbm>>
      tpu.wait_indirect_dma semaphore(%arg13 : memref<!tpu.dma_semaphore, #tpu.memory_space<semaphore_mem>>) src(%dma_wait3A_41 : memref<1000000x3xf32, #tpu.memory_space<hbm>>) dst(%arg11 : memref<3200x3xf32, #tpu.memory_space<vmem>>)
      %dma_wait3A_42 = arith.constant 0 : i32
      %dma_wait3A_43 = arith.constant 0 : i32
      %dma_wait3A_44 = tpu.memref_slice %arg3[%dma_wait3A_42, %dma_wait3A_43] : memref<1000000x3xf32, #tpu.memory_space<hbm>> -> memref<1000000x3xf32, #tpu.memory_space<hbm>>
      tpu.wait_indirect_dma semaphore(%arg13 : memref<!tpu.dma_semaphore, #tpu.memory_space<semaphore_mem>>) src(%dma_wait3A_44 : memref<1000000x3xf32, #tpu.memory_space<hbm>>) dst(%arg12 : memref<3200x3xf32, #tpu.memory_space<vmem>>)
      %add3A_45 = arith.constant 0 : i32
      %add3A_46 = arith.addi %add3A_14, %add3A_45 : i32
      "tpu.region"() ({
        %run_scoped3A = tpu.sem_alloc : memref<!tpu.dma_semaphore, #tpu.memory_space<semaphore_mem>>
        %dma_start3A_53 = arith.constant 0 : i32
        %dma_start3A_54 = tpu.memref_slice %arg4[%add3A_46, %dma_start3A_53] : memref<3276800x3xf32, #tpu.memory_space<hbm>> -> memref<3200x3xf32, #tpu.memory_space<hbm>>
        %dma_start3A_55 = arith.constant 0 : i32
        %dma_start3A_56 = tpu.memref_slice %arg4[%add3A_46, %dma_start3A_55] : memref<3276800x3xf32, #tpu.memory_space<hbm>> -> memref<3200x3xf32, #tpu.memory_space<hbm>>
        tpu.enqueue_dma source(%arg9 : memref<3200x3xf32, #tpu.memory_space<vmem>>) target(%dma_start3A_56 : memref<3200x3xf32, #tpu.memory_space<hbm>>) target_semaphore(%run_scoped3A : memref<!tpu.dma_semaphore, #tpu.memory_space<semaphore_mem>>)
        %dma_wait3A_57 = arith.constant 0 : i32
        %dma_wait3A_58 = tpu.memref_slice %arg4[%add3A_46, %dma_wait3A_57] : memref<3276800x3xf32, #tpu.memory_space<hbm>> -> memref<3200x3xf32, #tpu.memory_space<hbm>>
        %dma_wait3A_59 = arith.constant 0 : i32
        %dma_wait3A_60 = tpu.memref_slice %arg4[%add3A_46, %dma_wait3A_59] : memref<3276800x3xf32, #tpu.memory_space<hbm>> -> memref<3200x3xf32, #tpu.memory_space<hbm>>
        tpu.wait_dma2 semaphore(%run_scoped3A : memref<!tpu.dma_semaphore, #tpu.memory_space<semaphore_mem>>) src(%arg9 : memref<3200x3xf32, #tpu.memory_space<vmem>>) dst(%dma_wait3A_60 : memref<3200x3xf32, #tpu.memory_space<hbm>>)
        tpu.yield
      }) : () -> ()
      %add3A_47 = arith.constant 3200 : i32
      %add3A_48 = arith.addi %add3A_14, %add3A_47 : i32
      "tpu.region"() ({
        %run_scoped3A = tpu.sem_alloc : memref<!tpu.dma_semaphore, #tpu.memory_space<semaphore_mem>>
        %dma_start3A_53 = arith.constant 0 : i32
        %dma_start3A_54 = tpu.memref_slice %arg4[%add3A_48, %dma_start3A_53] : memref<3276800x3xf32, #tpu.memory_space<hbm>> -> memref<3200x3xf32, #tpu.memory_space<hbm>>
        %dma_start3A_55 = arith.constant 0 : i32
        %dma_start3A_56 = tpu.memref_slice %arg4[%add3A_48, %dma_start3A_55] : memref<3276800x3xf32, #tpu.memory_space<hbm>> -> memref<3200x3xf32, #tpu.memory_space<hbm>>
        tpu.enqueue_dma source(%arg10 : memref<3200x3xf32, #tpu.memory_space<vmem>>) target(%dma_start3A_56 : memref<3200x3xf32, #tpu.memory_space<hbm>>) target_semaphore(%run_scoped3A : memref<!tpu.dma_semaphore, #tpu.memory_space<semaphore_mem>>)
        %dma_wait3A_57 = arith.constant 0 : i32
        %dma_wait3A_58 = tpu.memref_slice %arg4[%add3A_48, %dma_wait3A_57] : memref<3276800x3xf32, #tpu.memory_space<hbm>> -> memref<3200x3xf32, #tpu.memory_space<hbm>>
        %dma_wait3A_59 = arith.constant 0 : i32
        %dma_wait3A_60 = tpu.memref_slice %arg4[%add3A_48, %dma_wait3A_59] : memref<3276800x3xf32, #tpu.memory_space<hbm>> -> memref<3200x3xf32, #tpu.memory_space<hbm>>
        tpu.wait_dma2 semaphore(%run_scoped3A : memref<!tpu.dma_semaphore, #tpu.memory_space<semaphore_mem>>) src(%arg10 : memref<3200x3xf32, #tpu.memory_space<vmem>>) dst(%dma_wait3A_60 : memref<3200x3xf32, #tpu.memory_space<hbm>>)
        tpu.yield
      }) : () -> ()
      %add3A_49 = arith.constant 6400 : i32
      %add3A_50 = arith.addi %add3A_14, %add3A_49 : i32
      "tpu.region"() ({
        %run_scoped3A = tpu.sem_alloc : memref<!tpu.dma_semaphore, #tpu.memory_space<semaphore_mem>>
        %dma_start3A_53 = arith.constant 0 : i32
        %dma_start3A_54 = tpu.memref_slice %arg4[%add3A_50, %dma_start3A_53] : memref<3276800x3xf32, #tpu.memory_space<hbm>> -> memref<3200x3xf32, #tpu.memory_space<hbm>>
        %dma_start3A_55 = arith.constant 0 : i32
        %dma_start3A_56 = tpu.memref_slice %arg4[%add3A_50, %dma_start3A_55] : memref<3276800x3xf32, #tpu.memory_space<hbm>> -> memref<3200x3xf32, #tpu.memory_space<hbm>>
        tpu.enqueue_dma source(%arg11 : memref<3200x3xf32, #tpu.memory_space<vmem>>) target(%dma_start3A_56 : memref<3200x3xf32, #tpu.memory_space<hbm>>) target_semaphore(%run_scoped3A : memref<!tpu.dma_semaphore, #tpu.memory_space<semaphore_mem>>)
        %dma_wait3A_57 = arith.constant 0 : i32
        %dma_wait3A_58 = tpu.memref_slice %arg4[%add3A_50, %dma_wait3A_57] : memref<3276800x3xf32, #tpu.memory_space<hbm>> -> memref<3200x3xf32, #tpu.memory_space<hbm>>
        %dma_wait3A_59 = arith.constant 0 : i32
        %dma_wait3A_60 = tpu.memref_slice %arg4[%add3A_50, %dma_wait3A_59] : memref<3276800x3xf32, #tpu.memory_space<hbm>> -> memref<3200x3xf32, #tpu.memory_space<hbm>>
        tpu.wait_dma2 semaphore(%run_scoped3A : memref<!tpu.dma_semaphore, #tpu.memory_space<semaphore_mem>>) src(%arg11 : memref<3200x3xf32, #tpu.memory_space<vmem>>) dst(%dma_wait3A_60 : memref<3200x3xf32, #tpu.memory_space<hbm>>)
        tpu.yield
      }) : () -> ()
      %add3A_51 = arith.constant 9600 : i32
      %add3A_52 = arith.addi %add3A_14, %add3A_51 : i32
      "tpu.region"() ({
        %run_scoped3A = tpu.sem_alloc : memref<!tpu.dma_semaphore, #tpu.memory_space<semaphore_mem>>
        %dma_start3A_53 = arith.constant 0 : i32
        %dma_start3A_54 = tpu.memref_slice %arg4[%add3A_52, %dma_start3A_53] : memref<3276800x3xf32, #tpu.memory_space<hbm>> -> memref<3200x3xf32, #tpu.memory_space<hbm>>
        %dma_start3A_55 = arith.constant 0 : i32
        %dma_start3A_56 = tpu.memref_slice %arg4[%add3A_52, %dma_start3A_55] : memref<3276800x3xf32, #tpu.memory_space<hbm>> -> memref<3200x3xf32, #tpu.memory_space<hbm>>
        tpu.enqueue_dma source(%arg12 : memref<3200x3xf32, #tpu.memory_space<vmem>>) target(%dma_start3A_56 : memref<3200x3xf32, #tpu.memory_space<hbm>>) target_semaphore(%run_scoped3A : memref<!tpu.dma_semaphore, #tpu.memory_space<semaphore_mem>>)
        %dma_wait3A_57 = arith.constant 0 : i32
        %dma_wait3A_58 = tpu.memref_slice %arg4[%add3A_52, %dma_wait3A_57] : memref<3276800x3xf32, #tpu.memory_space<hbm>> -> memref<3200x3xf32, #tpu.memory_space<hbm>>
        %dma_wait3A_59 = arith.constant 0 : i32
        %dma_wait3A_60 = tpu.memref_slice %arg4[%add3A_52, %dma_wait3A_59] : memref<3276800x3xf32, #tpu.memory_space<hbm>> -> memref<3200x3xf32, #tpu.memory_space<hbm>>
        tpu.wait_dma2 semaphore(%run_scoped3A : memref<!tpu.dma_semaphore, #tpu.memory_space<semaphore_mem>>) src(%arg12 : memref<3200x3xf32, #tpu.memory_space<vmem>>) dst(%dma_wait3A_60 : memref<3200x3xf32, #tpu.memory_space<hbm>>)
        tpu.yield
      }) : () -> ()
    }
    %scan3A_6 = arith.constant 8 : i32
    return
  }
}

</mosaic_0001>

<sc_bundles>
// kernel: kernel.3.cloned.1.call-start
scs
__scs_entry_jumppad:
0x0: {  	(pc) =	sbr.rel $0x88, $3  }
0x1: {  	(tag) =	ssettag $0x0;
	lr =	simm.s32 $0x1  }
0x2: {  	[smem:$0x3F9F] =	sst lr;
	_ =	strace $0xD0000000  }
0x3: {  	_ = 	snop  }
0x4: {  	_ = 	snop  }
0x5: {  	_ = 	snop  }
0x6: {  	_ = 	snop  }
0x7: {  	_ = 	snop  }
__scs_overlays_trampoline_lowered:
0x8: {  	[smem:$0x3FAE] =	sst s0  }
0x9: {  	[smem:$0x3FAF] =	sst s1  }
0xa: {  	[smem:$0x3FB0] =	sst s2  }
0xb: {  	[smem:$0x3FB1] =	sst s3  }
0xc: {  	[smem:$0x3FB2] =	sst s4  }
0xd: {  	[smem:$0x3FB3] =	sst s5  }
0xe: {  	[smem:$0x3FB4] =	sst s6  }
0xf: {  	[smem:$0x3FB5] =	sst s7  }
0x10: {  	[smem:$0x3FB6] =	sst s8  }
0x11: {  	[smem:$0x3FB7] =	sst s9;
	s0 =	simm.s32 @!p0 $0x0  }
0x12: {  	s1 =	sld [smem:$0x3F9D];
	s0 =	simm.s32 @p0 $0x1  }
0x13: {  	[smem:$0x3FB8] =	sst s0;
	s0 =	simm.s32 @!p1 $0x0  }
0x14: {  	s2 =	sld [smem:$0x3F9C];
	s0 =	simm.s32 @p1 $0x1  }
0x15: {  	[smem:$0x3FB9] =	sst s0;
	s0 =	simm.s32 @!p2 $0x0  }
0x16: {  	s3 =	sld [smem:$0x3FDB];
	s0 =	simm.s32 @p2 $0x1  }
0x17: {  	s4 =	simm.s32 $0x1BF5;
	[smem:$0x3FBB] =	sst s0  }
0x18: {  	s0 =	sld [smem:$0x3F9E];
	_ =	swait.ge [sflag:s4], $0x0  }
0x19: {  	s7 =	sld [smem:$0x3F9F]  }
0x1a: {  	s8 =	sadd.s32 $0xFFFFE003, lr  }
0x1b: {  	s9 =	sadd.s32 $0xFFFFFEF7, lr;
	s5 =	simm.s32 $0xFFFFFFFF;
	p2 =	slt.u32 s8, $0xFFFFF086  }
0x1c: {  	p1 =	slt.u32 s9, $0xF7A;
	s5 =	simm.s32 @!p2 $0x0  }
0x1d: {  	s5 =	simm.s32 @p1 $0x1;
	p0 =	seq.s32 s7, s2  }
0x1e: {  	s7 =	smul.u32 @!p0 $0xF7A, s2;
	p2 =	seq.s32 @!p0 s5, $0x0  }
0x1f: {  	s9 =	smul.u32 $0xF7A, s1;
	s8 =	simm.s32 @!p0 $0x1BF5;
	p2 =	por !p2, p0  }
0x20: {  	[sflag:s8] =	ssyncset.s32 @!p0 $0xFFFFF086;
	s6 =	sadd.s32 @!p0 s3, s7;
	s7 =	simm.s32 @!p0 $0x108  }
0x21: {  	s3 =	sadd.s32 s3, s9;
	s6 =	sadd.s32 @!p0 $0x88, s6;
	s7 =	simm.s32 @p2 $0x1082  }
0x22: {  	[simem:s7], [sflag:s8] =	dma.local @!p0 [hbm:s6], $0xF7A  }
0x23: {  	s9 =	sor.u32 $0xD0000000, s2;
	s6 =	simm.s32 $0x108;
	_ =	swait.ge @!p0 [sflag:s8], $0x0  }
0x24: {  	s3 =	sadd.s32 $0x88, s3;
	s6 =	simm.s32 @!p1 $0x1082;
	[sflag:s4] =	ssyncset.s32 $0xFFFFF086  }
0x25: {  	[simem:s6], [sflag:s4] =	dma.local [hbm:s3], $0xF7A  }
0x26: {  	[smem:$0x3F9F] =	sst s1;
	(tag) =	ssettag s2;
	_ =	strace s9  }
0x27: {  	s1 =	sld [smem:$0x3FAF]  }
0x28: {  	s2 =	sld [smem:$0x3FB0]  }
0x29: {  	s4 =	sld [smem:$0x3FB2]  }
0x2a: {  	p0 =	seq.s32 s5, $0x0;
	s5 =	sld [smem:$0x3FB3]  }
0x2b: {  	s6 =	sld [smem:$0x3FB4]  }
0x2c: {  	s7 =	sld [smem:$0x3FB5]  }
0x2d: {  	s3 =	simm.s32 $0x108;
	s8 =	sld [smem:$0x3FB6]  }
0x2e: {  	s3 =	simm.s32 @!p0 $0x1082;
	s9 =	sld [smem:$0x3FB7]  }
0x2f: {  	lr =	sadd.s32 s0, s3;
	s0 =	sld [smem:$0x3FAE]  }
0x30: {  	s3 =	sld [smem:$0x3FB1]  }
0x31: {  	[smem:$0x3FBA] =	sst s10  }
0x32: {  	s10 =	sld [smem:$0x3FB8];
	_ =	sdelay $0x3  }
0x33: {  	p0 =	seq.s32 s10, $0x1;
	s10 =	sld [smem:$0x3FBA];
	_ =	sdelay $0x3  }
0x34: {  	[smem:$0x3FBA] =	sst s10  }
0x35: {  	s10 =	sld [smem:$0x3FB9];
	_ =	sdelay $0x3  }
0x36: {  	p1 =	seq.s32 s10, $0x1;
	s10 =	sld [smem:$0x3FBA];
	_ =	sdelay $0x3  }
0x37: {  	[smem:$0x3FBA] =	sst s10  }
0x38: {  	s10 =	sld [smem:$0x3FBB]  }
0x39: {  	_ = 	snop;
	(pc) =	sbr.ind lr, $3  }
0x3a: {  	_ = 	snop  }
0x3b: {  	_ = 	snop  }
0x3c: {  	p2 =	seq.s32 s10, $0x1;
	s10 =	sld [smem:$0x3FBA]  }
0x3d: {  	_ =	shalt  }
0x3e: {  	_ =	shalt  }
0x3f: {  	_ =	shalt  }
0x40: {  	_ =	shalt  }
0x41: {  	_ =	shalt  }
0x42: {  	_ =	shalt  }
0x43: {  	_ =	shalt  }
0x44: {  	_ =	shalt  }
0x45: {  	_ =	shalt  }
0x46: {  	_ =	shalt  }
0x47: {  	_ =	shalt  }
0x48: {  	_ =	shalt  }
0x49: {  	_ =	shalt  }
0x4a: {  	_ =	shalt  }
0x4b: {  	_ =	shalt  }
0x4c: {  	_ =	shalt  }
0x4d: {  	_ =	shalt  }
0x4e: {  	_ =	shalt  }
0x4f: {  	_ =	shalt  }
0x50: {  	_ =	shalt  }
0x51: {  	_ =	shalt  }
0x52: {  	_ =	shalt  }
0x53: {  	_ =	shalt  }
0x54: {  	_ =	shalt  }
0x55: {  	_ =	shalt  }
0x56: {  	_ =	shalt  }
0x57: {  	_ =	shalt  }
0x58: {  	_ =	shalt  }
0x59: {  	_ =	shalt  }
0x5a: {  	_ =	shalt  }
0x5b: {  	_ =	shalt  }
0x5c: {  	_ =	shalt  }
0x5d: {  	_ =	shalt  }
0x5e: {  	_ =	shalt  }
0x5f: {  	_ =	shalt  }
0x60: {  	_ =	shalt  }
0x61: {  	_ =	shalt  }
0x62: {  	_ =	shalt  }
0x63: {  	_ =	shalt  }
0x64: {  	_ =	shalt  }
0x65: {  	_ =	shalt  }
0x66: {  	_ =	shalt  }
0x67: {  	_ =	shalt  }
0x68: {  	_ =	shalt  }
0x69: {  	_ =	shalt  }
0x6a: {  	_ =	shalt  }
0x6b: {  	_ =	shalt  }
0x6c: {  	_ =	shalt  }
0x6d: {  	_ =	shalt  }
0x6e: {  	_ =	shalt  }
0x6f: {  	_ =	shalt  }
0x70: {  	_ =	shalt  }
0x71: {  	_ =	shalt  }
0x72: {  	_ =	shalt  }
0x73: {  	_ =	shalt  }
0x74: {  	_ =	shalt  }
0x75: {  	_ =	shalt  }
0x76: {  	_ =	shalt  }
0x77: {  	_ =	shalt  }
0x78: {  	_ =	shalt  }
0x79: {  	_ =	shalt  }
0x7a: {  	_ =	shalt  }
0x7b: {  	_ =	shalt  }
0x7c: {  	_ =	shalt  }
0x7d: {  	_ =	shalt  }
0x7e: {  	_ =	shalt  }
0x7f: {  	_ =	shalt  }
0x80: {  	_ =	shalt  }
0x81: {  	_ =	shalt  }
0x82: {  	_ =	shalt  }
0x83: {  	_ =	shalt  }
0x84: {  	_ =	shalt  }
0x85: {  	_ =	shalt  }
0x86: {  	_ =	shalt  }
0x87: {  	_ =	shalt  }
.Lfunc_end0:
.L_simem_size_0:
called_computation.1_lowered:
.L_overlay_start_0:
0x88: {  	s2 =	sld [smem:$0x3FD9]  }
0x89: {  	s3 =	sld [smem:$0x3FFE];
	_ =	sdelay $0x1  }
0x8a: {  	s1 =	srdreg.scid  }
0x8b: {  	s0 =	sand.u32 $0x1, s1  }
0x8c: {  	s17 =	sshll.u32 s0, $0xA;
	s2 =	sadd.s32 s3, s2  }
0x8d: {  	s2 =	sadd.s32 s2, s17  }
0x8e: {  	[smem:$0x3FC6] =	sst s2  }
0x8f: {  	_ = 	snop  }
0x90: {  	s2 =	sld [smem:$0x3FD0];
	(tm) =	ssettm $0x1  }
0x91: {  	s18 =	sld [smem:$0x3FFB];
	_ =	sdelay $0x3  }
0x92: {  	_ =	strace s18  }
0x93: {  	s3 =	sld [smem:$0x3FFC];
	_ =	sdelay $0x3  }
0x94: {  	_ =	strace s3  }
0x95: {  	s3 =	sld [smem:$0x3FFD];
	_ =	sdelay $0x3  }
0x96: {  	_ =	strace s3  }
0x97: {  	_ =	strace $0x8FFFFFFF  }
0x98: {  	s19 =	sld [smem:$0x3FDB];
	_ =	sdelay $0x1  }
0x99: {  	s4 =	simm.s32 $_scs_section_size  }
0x9a: {  	s5 =	simm.s32 $_size__tile_overlayer_lowered;
	s6 =	simm.s32 $_tile_overlayer_lowered  }
0x9b: {  	s22 =	simm.s32 $0x1BFF;
	s21 =	sshll.u32 s6, $0x1;
	s3 =	sadd.s32 s4, s19  }
0x9c: {  	s7 =	simm.s32 $0x0;
	s20 =	sshll.u32 s5, $0x1;
	s5 =	sadd.s32 s21, s3  }
0x9d: {  	[timem:s7], [sflag:s22] =	dma.local [hbm:s5], s20  }
0x9e: {  	_ =	swait.ge [sflag:s22], s20  }
0x9f: {  	s4 =	ssub.s32 $0x0, s20;
	[sflag:s22] =	ssyncset.done $0x0  }
0xa0: {  	[sflag:s22] =	ssyncadd.s32 s4;
	_ =	sdelay $0x1  }
0xa1: {  	s23 =	simm.s32 $0x1B8B  }
0xa2: {  	_ =	swait.ge [sflag:s23], $0x1  }
0xa3: {  	[sflag:s23] =	ssyncset.done $0x0  }
0xa4: {  	s25 =	simm.s32 $0x1B8E;
	s24 =	sld [smem:$0x3FFE];
	[sflag:s23] =	ssyncadd.s32 $0xFFFFFFFF  }
0xa5: {  	s26 =	simm.s32 $execute0_lowered;
	[smem:$0x3FD2] =	sst s25  }
0xa6: {  	s5 =	sshll.u32 s26, $0x1;
	_ =	strace $0x80000046;
	[dreg:$0x1] =	wrdreg $0xFFFFFFFF  }
0xa7: {  	s28 =	simm.s32 $_size_execute0_lowered;
	s3 =	sadd.s32 s3, s5;
	[dreg:$0x0] =	wrdreg $0x0  }
0xa8: {  	s5 =	sshll.u32 s28, $0x1;
	[dreg:$0x2] =	wrdreg s3  }
0xa9: {  	[dreg:$0x3] =	wrdreg s5  }
0xaa: {  	[dreg:$0x4] =	wrdreg $0xC0  }
0xab: {  	_ =	task [dreg:s7], $0x5FFFF  }
0xac: {  	[dreg:$0x1] =	wrdreg $0xFFFFFFFF  }
0xad: {  	[dreg:$0x0] =	wrdreg $0x60  }
0xae: {  	[dreg:$0x2] =	wrdreg s24  }
0xaf: {  	[dreg:$0x3] =	wrdreg s2  }
0xb0: {  	[dreg:$0x4] =	wrdreg $0x9  }
0xb1: {  	_ =	task.clear_ibuf [dreg:s7], $0x5FFFF;
	_ =	strace $0x90000046  }
0xb2: {  	s29 =	simm.s32 $0x9;
	_ =	strace $0x80000048  }
0xb3: {  	_ =	swait.ge [sflag:s29], $0x1  }
0xb4: {  	[sflag:s29] =	ssyncadd.s32 $0xFFFFFFFF  }
0xb5: {  	_ =	strace $0x90000048  }
0xb6: {  	_ =	sfence  }
0xb7: {  	s30 =	sld [smem:$0x0];
	_ =	sdelay $0x2  }
0xb8: {  	s31 =	sshll.u32 s1, $0xD;
	s1 =	sshrl.u32 s1, $0x2  }
0xb9: {  	s3 =	sand.u32 $0x4000, s31;
	s1 =	sadd.s32 s1, s30  }
0xba: {  	s0 =	sor.u32 s3, s0;
	s1 =	sshll.u32 s1, $0x11  }
0xbb: {  	s0 =	sor.u32 s1, s0  }
0xbc: {  	s0 =	sadd.s32 $0x8F2B, s0  }
0xbd: {  	[sflag:s0] =	ssyncadd.remote.s32 $0x1  }
0xbe: {  	_ =	sfence.sel $0xFFFF  }
0xbf: {  	[dreg:$0x0] =	wrdreg $0xFFFFFFFF;
	(pc) =	sbr.abs _section_cstart, $3  }
0xc0: {  	[dreg:$0x1] =	wrdreg $0xFFFFFFFF  }
0xc1: {  	_ =	task.clear_ibuf [dreg:s7], $0x2FFFF;
	_ =	strace $0x9FFFFFFF  }
0xc2: {  	(tm) =	ssettm $0x7FFFFFFF  }
0xc3: {  	_ =	shalt  }
tec
execute0_lowered:
.L_overlay_start_1:
0x0: {  	(tag) =	ssettag $0x1  }
0x1: {  	s4 =	rddreg [dreg:$0x0]  }
0x2: {  	s2 =	rddreg [dreg:$0x1]  }
0x3: {  	s0 =	rddreg [dreg:$0x2];
	s5 =	srdreg.scid  }
0x4: {  	s1 =	stileid.u32;
	s3 =	simm.s32 $0x0;
	s12 =	simm.s32 $0x1900  }
0x5: {  	s13 =	simm.s32 $0x2580;
	s14 =	simm.s32 $0x3200;
	s15 =	simm.s32 $0x9600  }
0x6: {  	s16 =	simm.s32 $0xFA00;
	s5 =	sand.u32 $0x1, s5;
	s6 =	smul.u32 $0x32000, s1  }
0x7: {  	s17 =	simm.s32 $0x15E00;
	s18 =	simm.s32 $0x1;
	s7 =	smul.u32 $0x19000, s5  }
0x8: {  	s19 =	simm.s32 $0x0;
	[smem:$0x7FF] =	sst s3;
	s5 =	ssub.s32 $0x2, s5  }
0x9: {  	s9 =	sadd.s32 $0x1800, s4;
	s8 =	sshrl.u32 s5, $0x1;
	s7 =	sadd.s32 s7, s6  }
0xa: {  	_ =	strace $0x80000047;
	s5 =	ssub.s32 s5, s8;
	s6 =	sadd.s32 s7, s4  }
0xb: {  	s4 =	smax.u32 s5, $0x1;
	s28 =	sshrl.u32 s7, $0x3;
	s29 =	sadd.s32 $0x2580, s7  }
0xc: {  	s10 =	sadd.s32 $0x1900, s7;
	s11 =	sor.u32 $0xC80, s7;
	s5 =	sadd.s32 $0x65800, s6  }
0xd: {  	s6 =	sadd.s32 s28, s9;
	s8 =	sshrl.u32 s29, $0x3;
	s30 =	sshrl.u32 s10, $0x3  }
0xe: {  	s31 =	sshrl.u32 s11, $0x3;
	s10 =	simm.s32 $0x2;
	s11 =	simm.s32 $0xC80  }
0xf: {  	s7 =	sadd.s32 s8, s9;
	s8 =	sadd.s32 s30, s9;
	s9 =	sadd.s32 s31, s9  }
.LBB2_1:
0x10: {  	[tilespmem:s3], [sflag:$0x2] =	stream.linear.gather [hbm4b:s6+s3], $0xC80, $0x38;
	[tilespmem:$0x1C200] =	vst v63  }
0x11: {  	_ =	swait.ge [sflag:s10], $0xC80  }
0x12: {  	[sflag:s10] =	ssyncset.done $0x0  }
0x13: {  	[sflag:s10] =	ssyncadd.s32 $0xFFFFF380  }
0x14: {  	[tilespmem:s11], [sflag:$0x2] =	stream.linear.gather [hbm4b:s9+s3], $0xC80, $0x38;
	[tilespmem:$0x1C200] =	vst v63  }
0x15: {  	_ =	swait.ge [sflag:s10], $0xC80  }
0x16: {  	[sflag:s10] =	ssyncset.done $0x0  }
0x17: {  	[sflag:s10] =	ssyncadd.s32 $0xFFFFF380  }
0x18: {  	[tilespmem:s12], [sflag:$0x2] =	stream.linear.gather [hbm4b:s8+s3], $0xC80, $0x38;
	[tilespmem:$0x1C200] =	vst v63  }
0x19: {  	_ =	swait.ge [sflag:s10], $0xC80  }
0x1a: {  	[sflag:s10] =	ssyncset.done $0x0  }
0x1b: {  	[sflag:s10] =	ssyncadd.s32 $0xFFFFF380  }
0x1c: {  	[tilespmem:s13], [sflag:$0x2] =	stream.linear.gather [hbm4b:s7+s3], $0xC80, $0x38;
	[tilespmem:$0x1C200] =	vst v63  }
0x1d: {  	_ =	swait.ge [sflag:s10], $0xC80  }
0x1e: {  	[sflag:s10] =	ssyncset.done $0x0  }
0x1f: {  	[sflag:s10] =	ssyncadd.s32 $0xFFFFF380  }
0x20: {  	[tilespmem:s14], [sflag:$0x1] =	stream.indirect.gather [hbm4b:s2+s11], $0x3, s3, s11, $0xb8;
	[tilespmem:$0x1C200] =	vst v63  }
0x21: {  	_ = 	snop  }
0x22: {  	[tilespmem:s15], [sflag:$0x1] =	stream.indirect.gather [hbm4b:s2+s11], $0x3, s11, s11, $0xb8;
	[tilespmem:$0x1C200] =	vst v63  }
0x23: {  	_ = 	snop  }
0x24: {  	[tilespmem:s16], [sflag:$0x1] =	stream.indirect.gather [hbm4b:s2+s11], $0x3, s12, s11, $0xb8;
	[tilespmem:$0x1C200] =	vst v63  }
0x25: {  	_ = 	snop  }
0x26: {  	[tilespmem:s17], [sflag:$0x1] =	stream.indirect.gather [hbm4b:s2+s11], $0x3, s13, s11, $0xb8;
	[tilespmem:$0x1C200] =	vst v63  }
0x27: {  	_ =	swait.ge [sflag:s18], $0x2580  }
0x28: {  	[sflag:s18] =	ssyncset.done $0x0  }
0x29: {  	[sflag:s18] =	ssyncadd.s32 $0xFFFFDA80  }
0x2a: {  	_ =	swait.ge [sflag:s18], $0x2580  }
0x2b: {  	[sflag:s18] =	ssyncset.done $0x0  }
0x2c: {  	[sflag:s18] =	ssyncadd.s32 $0xFFFFDA80  }
0x2d: {  	_ =	swait.ge [sflag:s18], $0x2580  }
0x2e: {  	[sflag:s18] =	ssyncset.done $0x0  }
0x2f: {  	[sflag:s18] =	ssyncadd.s32 $0xFFFFDA80  }
0x30: {  	_ =	swait.ge [sflag:s18], $0x2580  }
0x31: {  	[sflag:s18] =	ssyncset.done $0x0  }
0x32: {  	s20 =	sadd.s32 $0x0, s5;
	[sflag:s18] =	ssyncadd.s32 $0xFFFFDA80  }
0x33: {  	[hbm4b:s20+s3] =	stream.linear.scatter [tilespmem:s14], [sflag:$0x2], $0x6400, $0x38;
	[tilespmem:$0x1C200] =	vst v63  }
0x34: {  	_ =	swait.ge [sflag:s10], $0x6400  }
0x35: {  	[sflag:s10] =	ssyncset.done $0x0  }
0x36: {  	s21 =	sadd.s32 $0xC80, s20;
	[sflag:s10] =	ssyncadd.s32 $0xFFFF9C00  }
0x37: {  	[hbm4b:s21+s3] =	stream.linear.scatter [tilespmem:s15], [sflag:$0x2], $0x6400, $0x38;
	[tilespmem:$0x1C200] =	vst v63  }
0x38: {  	_ =	swait.ge [sflag:s10], $0x6400  }
0x39: {  	[sflag:s10] =	ssyncset.done $0x0  }
0x3a: {  	s31 =	sadd.s32 $0x1900, s20;
	[sflag:s10] =	ssyncadd.s32 $0xFFFF9C00  }
0x3b: {  	[hbm4b:s31+s3] =	stream.linear.scatter [tilespmem:s16], [sflag:$0x2], $0x6400, $0x38;
	[tilespmem:$0x1C200] =	vst v63  }
0x3c: {  	_ =	swait.ge [sflag:s10], $0x6400  }
0x3d: {  	[sflag:s10] =	ssyncset.done $0x0  }
0x3e: {  	s22 =	sadd.s32 $0x640, s9;
	s20 =	sadd.s32 $0x2580, s20;
	[sflag:s10] =	ssyncadd.s32 $0xFFFF9C00  }
0x3f: {  	[hbm4b:s20+s3] =	stream.linear.scatter [tilespmem:s17], [sflag:$0x2], $0x6400, $0x38;
	[tilespmem:$0x1C200] =	vst v63  }
0x40: {  	s23 =	smov.u32 s6;
	s24 =	smov.u32 s7;
	_ =	swait.ge [sflag:s10], $0x6400  }
0x41: {  	s21 =	sadd.s32 $0x640, s8;
	s20 =	simm.s32 $0x3200;
	[sflag:s10] =	ssyncset.done $0x0  }
.LBB2_2:
0x42: {  	[sflag:s10] =	ssyncadd.s32 $0xFFFF9C00  }
0x43: {  	s23 =	sadd.s32 $0x640, s23;
	s24 =	sadd.s32 $0x640, s24;
	s25 =	smov.u32 s20  }
0x44: {  	[tilespmem:s3], [sflag:$0x2] =	stream.linear.gather [hbm4b:s23+s3], $0xC80, $0x38;
	[tilespmem:$0x1C200] =	vst v63  }
0x45: {  	p0 =	sne.s32 s20, $0x15E00;
	s20 =	sadd.s32 $0x3200, s20;
	_ =	swait.ge [sflag:s10], $0xC80  }
0x46: {  	[sflag:s10] =	ssyncset.done $0x0  }
0x47: {  	[sflag:s10] =	ssyncadd.s32 $0xFFFFF380  }
0x48: {  	[tilespmem:s11], [sflag:$0x2] =	stream.linear.gather [hbm4b:s22+s3], $0xC80, $0x38;
	[tilespmem:$0x1C200] =	vst v63  }
0x49: {  	_ =	swait.ge [sflag:s10], $0xC80  }
0x4a: {  	[sflag:s10] =	ssyncset.done $0x0  }
0x4b: {  	[sflag:s10] =	ssyncadd.s32 $0xFFFFF380  }
0x4c: {  	[tilespmem:s12], [sflag:$0x2] =	stream.linear.gather [hbm4b:s21+s3], $0xC80, $0x38;
	[tilespmem:$0x1C200] =	vst v63  }
0x4d: {  	_ =	swait.ge [sflag:s10], $0xC80  }
0x4e: {  	[sflag:s10] =	ssyncset.done $0x0  }
0x4f: {  	[sflag:s10] =	ssyncadd.s32 $0xFFFFF380  }
0x50: {  	[tilespmem:s13], [sflag:$0x2] =	stream.linear.gather [hbm4b:s24+s3], $0xC80, $0x38;
	[tilespmem:$0x1C200] =	vst v63  }
0x51: {  	_ =	swait.ge [sflag:s10], $0xC80  }
0x52: {  	[sflag:s10] =	ssyncset.done $0x0  }
0x53: {  	[sflag:s10] =	ssyncadd.s32 $0xFFFFF380  }
0x54: {  	[tilespmem:s14], [sflag:$0x1] =	stream.indirect.gather [hbm4b:s2+s11], $0x3, s3, s11, $0xb8;
	[tilespmem:$0x1C200] =	vst v63  }
0x55: {  	_ = 	snop  }
0x56: {  	[tilespmem:s15], [sflag:$0x1] =	stream.indirect.gather [hbm4b:s2+s11], $0x3, s11, s11, $0xb8;
	[tilespmem:$0x1C200] =	vst v63  }
0x57: {  	_ = 	snop  }
0x58: {  	[tilespmem:s16], [sflag:$0x1] =	stream.indirect.gather [hbm4b:s2+s11], $0x3, s12, s11, $0xb8;
	[tilespmem:$0x1C200] =	vst v63  }
0x59: {  	_ = 	snop  }
0x5a: {  	[tilespmem:s17], [sflag:$0x1] =	stream.indirect.gather [hbm4b:s2+s11], $0x3, s13, s11, $0xb8;
	[tilespmem:$0x1C200] =	vst v63  }
0x5b: {  	_ =	swait.ge [sflag:s18], $0x2580  }
0x5c: {  	[sflag:s18] =	ssyncset.done $0x0  }
0x5d: {  	[sflag:s18] =	ssyncadd.s32 $0xFFFFDA80  }
0x5e: {  	_ =	swait.ge [sflag:s18], $0x2580  }
0x5f: {  	[sflag:s18] =	ssyncset.done $0x0  }
0x60: {  	[sflag:s18] =	ssyncadd.s32 $0xFFFFDA80  }
0x61: {  	_ =	swait.ge [sflag:s18], $0x2580  }
0x62: {  	[sflag:s18] =	ssyncset.done $0x0  }
0x63: {  	[sflag:s18] =	ssyncadd.s32 $0xFFFFDA80  }
0x64: {  	_ =	swait.ge [sflag:s18], $0x2580  }
0x65: {  	[sflag:s18] =	ssyncset.done $0x0  }
0x66: {  	s25 =	sadd.s32 s25, s5;
	[sflag:s18] =	ssyncadd.s32 $0xFFFFDA80  }
0x67: {  	[hbm4b:s25+s3] =	stream.linear.scatter [tilespmem:s14], [sflag:$0x2], $0x6400, $0x38;
	[tilespmem:$0x1C200] =	vst v63  }
0x68: {  	_ =	swait.ge [sflag:s10], $0x6400  }
0x69: {  	[sflag:s10] =	ssyncset.done $0x0  }
0x6a: {  	s26 =	sadd.s32 $0xC80, s25;
	[sflag:s10] =	ssyncadd.s32 $0xFFFF9C00  }
0x6b: {  	[hbm4b:s26+s3] =	stream.linear.scatter [tilespmem:s15], [sflag:$0x2], $0x6400, $0x38;
	[tilespmem:$0x1C200] =	vst v63  }
0x6c: {  	_ =	swait.ge [sflag:s10], $0x6400  }
0x6d: {  	[sflag:s10] =	ssyncset.done $0x0  }
0x6e: {  	s26 =	sadd.s32 $0x1900, s25;
	[sflag:s10] =	ssyncadd.s32 $0xFFFF9C00  }
0x6f: {  	[hbm4b:s26+s3] =	stream.linear.scatter [tilespmem:s16], [sflag:$0x2], $0x6400, $0x38;
	[tilespmem:$0x1C200] =	vst v63  }
0x70: {  	_ =	swait.ge [sflag:s10], $0x6400  }
.Ltmp0:
0x71: {  	[sflag:s10] =	ssyncset.done $0x0;
	(pc) =	sbr.rel @p0 .LBB2_2-.Ltmp0, $4  }
0x72: {  	s25 =	sadd.s32 $0x2580, s25;
	[sflag:s10] =	ssyncadd.s32 $0xFFFF9C00  }
0x73: {  	[hbm4b:s25+s3] =	stream.linear.scatter [tilespmem:s17], [sflag:$0x2], $0x6400, $0x38;
	[tilespmem:$0x1C200] =	vst v63  }
0x74: {  	_ =	swait.ge [sflag:s10], $0x6400  }
0x75: {  	s22 =	sadd.s32 $0x640, s22;
	s21 =	sadd.s32 $0x640, s21;
	[sflag:s10] =	ssyncset.done $0x0  }
0x76: {  	s19 =	sadd.s32 $0x1, s19  }
0x77: {  	p0 =	sne.s32 s19, s4  }
.Ltmp1:
0x78: {  	_ = 	snop;
	(pc) =	sbr.rel @p0 .LBB2_1-.Ltmp1, $2  }
0x79: {  	_ =	sdelay $0x2  }
0x7a: {  	[sflag:s10] =	ssyncadd.s32 $0xFFFF9C00  }
0x7b: {  	_ =	sfence.sel $0x180000  }
0x7c: {  	[bflag:$0x0] =	sbarrier.arrive $0xFFFF  }
0x7d: {  	p0 =	sne.s32 s1, $0x0;
	_ =	strace $0x90000047  }
0x7e: {  	s0 =	sadd.s32 @!p0 $0x100000, s0;
	[bflag:$0x2] =	sbarrier.arrive $0xFFFF  }
0x7f: {  	[sflag:s0] =	ssyncadd.tile.s32 @!p0 $0x1;
	_ =	shalt  }
.Lfunc_end2:
_tile_overlayer_lowered:
.L_overlay_start_2:
0x80: {  	(tag) =	ssettag $0x2  }
0x81: {  	s0 =	rddreg [dreg:$0x0];
	s2 =	stileid.u32  }
0x82: {  	s1 =	rddreg [dreg:$0x1];
	p0 =	sne.s32 s2, $0x0  }
0x83: {  	s3 =	rddreg [dreg:$0x2];
	[bflag:$0x3] =	sbarrier.arrive $0xFFFF;
	s2 =	simm.s32 @!p0 $0x1C02  }
0x84: {  	[timem:s3], [sflag:s2] =	dma.local @!p0 [hbm:s0], s1  }
0x85: {  	s0 =	simm.s32 @!p0 $0x2  }
0x86: {  	_ =	swait.ge @!p0 [sflag:s0], s1  }
0x87: {  	s1 =	ssub.s32 @!p0 $0x0, s1;
	[sflag:s0] =	ssyncset.done @!p0 $0x0  }
0x88: {  	[sflag:s0] =	ssyncadd.s32 @!p0 s1  }
0x89: {  	[bflag:$0x3] =	sbarrier.arrive $0xFFFF  }
0x8a: {  	_ =	shalt  }

// kernel: sparse-core-data-format-call.cloned.1.call-start
scs
called_computation_lowered:
.L_overlay_start_0:
0x0: {  	s2 =	sld [smem:$0x3FD9]  }
0x1: {  	s3 =	sld [smem:$0x3FFE];
	_ =	sdelay $0x1  }
0x2: {  	s1 =	srdreg.scid  }
0x3: {  	s0 =	sand.u32 $0x1, s1  }
0x4: {  	s18 =	sshll.u32 s0, $0xA;
	s2 =	sadd.s32 s3, s2  }
0x5: {  	s2 =	sadd.s32 s2, s18  }
0x6: {  	[smem:$0x3FC6] =	sst s2  }
0x7: {  	_ = 	snop  }
0x8: {  	s2 =	sld [smem:$0x3FD0];
	(tm) =	ssettm $0x1  }
0x9: {  	s19 =	sld [smem:$0x3FFB];
	_ =	sdelay $0x3  }
0xa: {  	_ =	strace s19  }
0xb: {  	s3 =	sld [smem:$0x3FFC];
	_ =	sdelay $0x3  }
0xc: {  	_ =	strace s3  }
0xd: {  	s3 =	sld [smem:$0x3FFD];
	_ =	sdelay $0x3  }
0xe: {  	_ =	strace s3  }
0xf: {  	_ =	strace $0x8FFFFFFF  }
0x10: {  	s20 =	sld [smem:$0x3FDB];
	_ =	sdelay $0x1  }
0x11: {  	s4 =	simm.s32 $_scs_section_size  }
0x12: {  	s5 =	simm.s32 $_size__tile_overlayer_lowered;
	s6 =	simm.s32 $_tile_overlayer_lowered  }
0x13: {  	s23 =	simm.s32 $0x1BFF;
	s22 =	sshll.u32 s6, $0x1;
	s3 =	sadd.s32 s4, s20  }
0x14: {  	s7 =	simm.s32 $0x0;
	s21 =	sshll.u32 s5, $0x1;
	s5 =	sadd.s32 s22, s3  }
0x15: {  	[timem:s7], [sflag:s23] =	dma.local [hbm:s5], s21  }
0x16: {  	_ =	swait.ge [sflag:s23], s21  }
0x17: {  	s4 =	ssub.s32 $0x0, s21;
	[sflag:s23] =	ssyncset.done $0x0  }
0x18: {  	[sflag:s23] =	ssyncadd.s32 s4;
	_ =	sdelay $0x1  }
0x19: {  	s24 =	simm.s32 $0x1B8B  }
0x1a: {  	_ =	swait.ge [sflag:s24], $0x1  }
0x1b: {  	[sflag:s24] =	ssyncset.done $0x0  }
0x1c: {  	s26 =	simm.s32 $0x1B8E;
	s25 =	sld [smem:$0x3FFE];
	[sflag:s24] =	ssyncadd.s32 $0xFFFFFFFF  }
0x1d: {  	s27 =	simm.s32 $execute0_lowered;
	[smem:$0x3FD2] =	sst s26  }
0x1e: {  	s5 =	sshll.u32 s27, $0x1;
	_ =	strace $0x80000049;
	[dreg:$0x1] =	wrdreg $0xFFFFFFFF  }
0x1f: {  	s28 =	simm.s32 $_size_execute0_lowered;
	s3 =	sadd.s32 s3, s5;
	[dreg:$0x0] =	wrdreg $0x0  }
0x20: {  	s5 =	sshll.u32 s28, $0x1;
	[dreg:$0x2] =	wrdreg s3  }
0x21: {  	[dreg:$0x3] =	wrdreg s5  }
0x22: {  	[dreg:$0x4] =	wrdreg $0xC0  }
0x23: {  	_ =	task [dreg:s7], $0x5FFFF  }
0x24: {  	[dreg:$0x1] =	wrdreg $0xFFFFFFFF  }
0x25: {  	[dreg:$0x0] =	wrdreg $0x60  }
0x26: {  	[dreg:$0x2] =	wrdreg s25  }
0x27: {  	[dreg:$0x3] =	wrdreg s2  }
0x28: {  	[dreg:$0x4] =	wrdreg $0x9  }
0x29: {  	_ =	task.clear_ibuf [dreg:s7], $0x5FFFF;
	_ =	strace $0x90000049  }
0x2a: {  	s29 =	simm.s32 $0x9;
	_ =	strace $0x8000004B  }
0x2b: {  	_ =	swait.ge [sflag:s29], $0x1  }
0x2c: {  	[sflag:s29] =	ssyncadd.s32 $0xFFFFFFFF  }
0x2d: {  	_ =	strace $0x9000004B  }
0x2e: {  	_ =	sfence  }
0x2f: {  	s30 =	sld [smem:$0x0];
	_ =	sdelay $0x2  }
0x30: {  	s31 =	sshll.u32 s1, $0xD;
	s1 =	sshrl.u32 s1, $0x2  }
0x31: {  	s3 =	sand.u32 $0x4000, s31;
	s1 =	sadd.s32 s1, s30  }
0x32: {  	s0 =	sor.u32 s3, s0;
	s1 =	sshll.u32 s1, $0x11  }
0x33: {  	s0 =	sor.u32 s1, s0  }
0x34: {  	s0 =	sadd.s32 $0x8F2B, s0  }
0x35: {  	[sflag:s0] =	ssyncadd.remote.s32 $0x1  }
0x36: {  	_ =	sfence.sel $0xFFFF  }
0x37: {  	[dreg:$0x0] =	wrdreg $0xFFFFFFFF;
	(pc) =	sbr.abs _section_cstart, $3  }
0x38: {  	[dreg:$0x1] =	wrdreg $0xFFFFFFFF  }
0x39: {  	_ =	task.clear_ibuf [dreg:s7], $0x2FFFF;
	_ =	strace $0x9FFFFFFF  }
0x3a: {  	(tm) =	ssettm $0x7FFFFFFF  }
0x3b: {  	_ =	shalt  }
tec
execute0_lowered:
.L_overlay_start_1:
0x0: {  	(tag) =	ssettag $0x1  }
0x1: {  	s0 =	srdreg.scid  }
0x2: {  	s1 =	sshll.u32 s0, $0x4  }
0x3: {  	s6 =	rddreg [dreg:$0x0];
	s0 =	stileid.u32;
	s1 =	sand.u32 $0x10, s1  }
0x4: {  	s3 =	rddreg [dreg:$0x1];
	s1 =	sor.u32 s0, s1  }
0x5: {  	s5 =	simm.s32 $0x1;
	s31 =	simm.s32 $0x2;
	s2 =	sshll.u32 s1, $0x7  }
0x6: {  	s15 =	simm.s32 $0x0;
	s8 =	simm.s32 $0x320000;
	s4 =	ssub.s32 $0x4000, s2  }
0x7: {  	s14 =	simm.s32 $0x0;
	s9 =	simm.s32 $0x0;
	s30 =	sand.u32 $0xF80, s4  }
0x8: {  	s10 =	simm.s32 $0x0;
	s11 =	simm.s32 $0x0;
	p0 =	sne.s32 s30, $0x0  }
.Ltmp0:
0x9: {  	s7 =	sshrl.u32 s4, $0xC;
	s5 =	simm.s32 @!p0 $0x0;
	(pc) =	sbr.rel .LBB1_1-.Ltmp0, $4  }
0xa: {  	s13 =	simm.s32 $0x0;
	s1 =	rddreg [dreg:$0x2];
	s5 =	sadd.s32 s5, s7  }
0xb: {  	_ =	strace $0x8000004A;
	s4 =	simm.s32 $0x1;
	s5 =	smul.u32 $0xC8, s5  }
0xc: {  	s6 =	sadd.s32 $0x385800, s6;
	s12 =	smov.u32 s2;
	[sflag:s4] =	ssyncpa.u1 $0x0  }
0xd: {  	[sflag:s31] =	ssyncpa.u1 $0x0;
	p0 =	por $0x0, $0x0;
	s7 =	sor.u32 $0x1, s5  }
.LBB1_4:
0xe: {  	s18 =	sshll.u32 s9, $0xE;
	s19 =	sand.u32 $0x78, s10;
	s20 =	sshll.u32 s10, $0x3  }
0xf: {  	s22 =	sshll.u32 s9, $0x7;
	p1 =	sgt.s32 s9, $0xC7;
	s25 =	sshra.s32 s9, $0x1F  }
0x10: {  	s23 =	smov.u32 s10;
	s24 =	sshra.s32 s10, $0x1F;
	s29 =	sand.u32 $0x7, s10  }
0x11: {  	s18 =	sand.u32 $0xFFFE0000, s18;
	s21 =	sand.u32 $0xFFFFFC00, s20;
	s20 =	sand.u32 $0x3C00, s20  }
0x12: {  	s30 =	sand.u32 $0x380, s22;
	s22 =	sand.u32 s25, s9;
	s18 =	sadd.s32 s21, s18  }
0x13: {  	s19 =	sor.u32 s19, s20;
	s20 =	smov.u32 s9;
	s18 =	sshrl.u32 s18, $0xE  }
0x14: {  	s20 =	simm.s32 @!p1 $0xC7;
	p1 =	sgt.s32 s10, $0x3F80;
	s31 =	smulhi.u32 $0x147AE15, s18  }
0x15: {  	s26 =	sand.u32 s24, s10;
	s20 =	ssub.s32 s20, s22;
	s23 =	simm.s32 @!p1 $0x3F80  }
0x16: {  	s27 =	ssub.s32 $0xC8, s20;
	s22 =	ssub.s32 s23, s26;
	s21 =	smul.u32 $0xC8, s31  }
0x17: {  	s20 =	sadd.s32 $0xFFFFFF39, s20;
	s23 =	smul.u32 $0x3, s27;
	s28 =	sadd.s32 $0xFFFFC080, s22  }
0x18: {  	p1 =	sgt.s32 s20, $0x0;
	s20 =	ssub.s32 $0x4000, s22;
	p2 =	sgt.s32 s28, $0x7F  }
0x19: {  	s19 =	sor.u32 s30, s19;
	s23 =	simm.s32 @p1 $0x0;
	s20 =	simm.s32 @p2 $0x0  }
0x1a: {  	s19 =	sshrl.u32 s19, $0x3;
	s18 =	ssub.s32 s18, s21;
	s20 =	smul.u32 s20, s23  }
0x1b: {  	s19 =	sadd.s32 s3, s19;
	s21 =	sshll.u32 s29, $0x12;
	s18 =	sshll.u32 s18, $0xB  }
0x1c: {  	[tilespmem:s17+$0x0 ss:$0x81] =	vst.msk $0xffff, v0;
	s31 =	sor.u32 $0x80, s21;
	s18 =	sadd.s32 s18, s19;
	s30 =	sand.u32 $0x3FFFFFFF, s20  }
0x1d: {  	[hbm4b:s18+s31] =	stream.strided.scatter [tilespmem:s16], [sflag:$0x2], s30, s8, s31, $0x20;
	[tilespmem:$0x4040] =	vst v63  }
.LBB1_5:
0x1e: {  	p1 =	slt.u32 s13, $0x2  }
0x1f: {  	s17 =	smov.u32 s15;
	p2 =	sgt.s32 @!p1 s15, $0xC7;
	s16 =	sshra.s32 @!p1 s15, $0x1F  }
0x20: {  	p3 =	sgt.s32 @!p1 s14, $0x3F80;
	s18 =	sshra.s32 @!p1 s14, $0x1F;
	p2 =	por !p2, p1  }
0x21: {  	s15 =	sand.u32 @!p1 s16, s15;
	p3 =	por !p3, p1;
	s16 =	smov.u32 s14  }
0x22: {  	s14 =	sand.u32 @!p1 s18, s14;
	s17 =	simm.s32 @p2 $0xC7;
	s16 =	simm.s32 @p3 $0x3F80  }
0x23: {  	s18 =	smov.u32 s12;
	s15 =	ssub.s32 @!p1 s17, s15;
	s14 =	ssub.s32 @!p1 s16, s14  }
0x24: {  	s16 =	sadd.s32 @!p1 $0xFFFFFF39, s15;
	s15 =	ssub.s32 @!p1 $0xC8, s15;
	s17 =	sadd.s32 @!p1 $0xFFFFC080, s14  }
0x25: {  	p2 =	sgt.s32 @!p1 s16, $0x0;
	s15 =	smul.u32 @!p1 $0x3, s15;
	p3 =	sgt.s32 @!p1 s17, $0x7F  }
0x26: {  	s14 =	ssub.s32 @!p1 $0x4000, s14;
	p2 =	por !p2, p1;
	p3 =	por !p3, p1  }
0x27: {  	s16 =	sadd.s32 $0x1, s11;
	s15 =	simm.s32 @!p2 $0x0;
	s14 =	simm.s32 @!p3 $0x0  }
0x28: {  	p2 =	sgt.s32 s16, $0xC7;
	s14 =	smul.u32 @!p1 s14, s15;
	s15 =	sadd.s32 $0x1000, s12  }
0x29: {  	s18 =	smov.u32 @p2 s15  }
0x2a: {  	s16 =	simm.s32 @p2 $0x0;
	p2 =	sgt.s32 s18, $0x3FFF  }
0x2b: {  	s18 =	smov.u32 @p2 s2;
	p2 =	sne.s32 s13, s7  }
.Ltmp1:
0x2c: {  	p0 =	por !p0, !p0;
	s17 =	simm.s32 @!p1 $0x2;
	(pc) =	sbr.rel @!p2 .LBB1_6-.Ltmp1, $4  }
0x2d: {  	s15 =	smov.u32 s9;
	s9 =	smov.u32 s11;
	s14 =	sand.u32 @!p1 $0x3FFFFFFF, s14  }
0x2e: {  	s11 =	smov.u32 s16;
	_ =	swait.ge @!p1 [sflag:s17], s14;
	s19 =	ssub.s32 @!p1 $0x0, s14  }
0x2f: {  	s14 =	smov.u32 s10;
	s13 =	sadd.s32 $0x1, s13;
	[sflag:s17] =	ssyncset.done @!p1 $0x0  }
0x30: {  	s10 =	smov.u32 s12;
	s12 =	smov.u32 s18;
	[sflag:s17] =	ssyncadd.s32 @!p1 s19  }
.LBB1_1:
0x31: {  	p1 =	sge.u32 s13, s5  }
0x32: {  	s16 =	sand.u32 @!p1 $0x1FFFFFF, s11  }
0x33: {  	s17 =	smulhi.u32 @!p1 $0x147AE15, s16;
	_ =	sdelay $0x1  }
0x34: {  	s17 =	smul.u32 @!p1 $0xC8, s17  }
0x35: {  	s18 =	sxor.u32 @!p1 $0xFFFFFFFF, s13;
	s19 =	smul.u32 @!p1 $0xC80, s12  }
0x36: {  	s31 =	sadd.s32 $0xFFFFFFFF, s13;
	s18 =	sshll.u32 @!p1 s18, $0xC;
	s16 =	ssub.s32 @!p1 s16, s17  }
0x37: {  	s17 =	sand.u32 @!p1 $0x1000, s18;
	s18 =	sadd.s32 @!p1 s6, s19;
	s16 =	sshll.u32 @!p1 s16, $0x4  }
0x38: {  	s19 =	simm.s32 @!p1 $0x6400;
	s16 =	sadd.s32 @!p1 s16, s18;
	s18 =	simm.s32 @!p1 $0x20  }
0x39: {  	[tilespmem:s17], [sflag:$0x1] =	stream.strided.gather @!p1 [hbm4b:s16+s18], $0x1000, s19, s18, $0x38;
	[tilespmem:$0x4040] =	vst v63  }
0x3a: {  	p1 =	sge.u32 s31, s5  }
.Ltmp2:
0x3b: {  	_ = 	snop;
	(pc) =	sbr.rel @p1 .LBB1_5-.Ltmp2, $1  }
0x3c: {  	_ =	sdelay $0x3  }
0x3d: {  	s16 =	simm.s32 $0x1  }
0x3e: {  	_ =	swait.ge [sflag:s4], $0x1000;
	s16 =	simm.s32 @!p0 $0x0  }
0x3f: {  	[sflag:s4] =	ssyncset.done $0x0;
	s17 =	sshll.u32 s16, $0xC  }
0x40: {  	[sflag:s4] =	ssyncadd.s32 $0xFFFFF000;
	s20 =	sor.u32 $0x10, s17  }
0x41: {  	s16 =	smul.u32 $0x4080, s16;
	v1 =	vld [tilespmem:s20+$0x0]  }
0x42: {  	s30 =	sand.u32 $0x1, s13;
	v0 =	vld [tilespmem:s20+$0xFFFFFFF0]  }
0x43: {  	s17 =	smul.u32 $0x4080, s30;
	s16 =	sshrl.u32 s16, $0x2  }
0x44: {  	s18 =	sor.u32 $0x2000, s16  }
0x45: {  	s31 =	sshrl.u32 s17, $0x2;
	s17 =	sadd.s32 $0x0, s18  }
0x46: {  	s19 =	simm.s32 $0x4;
	s20 =	sadd.s32 $0x20, s20;
	s16 =	sor.u32 $0x2000, s31;
	[tilespmem:s17+$0x810 ss:$0x81] =	vst.msk $0xffff, v1  }
.LBB1_3:
0x47: {  	v1 =	vld [tilespmem:s20+$0x0];
	p1 =	sne.s32 s19, $0x1FC;
	[tilespmem:s17+$0x0 ss:$0x81] =	vst.msk $0xffff, v0;
	s17 =	smov.u32 s19;
	s19 =	sadd.s32 $0x4, s19  }
.Ltmp3:
0x48: {  	v0 =	vld [tilespmem:s20+$0xFFFFFFF0];
	(pc) =	sbr.rel @p1 .LBB1_3-.Ltmp3, $4  }
0x49: {  	_ = 	snop  }
0x4a: {  	s17 =	sshra.s32 s17, $0x2  }
0x4b: {  	s17 =	sadd.s32 s17, s18  }
0x4c: {  	s20 =	sadd.s32 $0x20, s20;
	[tilespmem:s17+$0x810 ss:$0x81] =	vst.msk $0xffff, v1  }
.Ltmp4:
0x4d: {  	_ = 	snop;
	(pc) =	sbr.rel .LBB1_4-.Ltmp4, $1  }
0x4e: {  	_ =	sdelay $0x3  }
.LBB1_6:
0x4f: {  	_ =	sfence.sel $0x180000  }
0x50: {  	s2 =	simm.s32 $0x1;
	[bflag:$0x0] =	sbarrier.arrive $0xFFFF  }
0x51: {  	s31 =	simm.s32 $0x2;
	[sflag:s2] =	ssyncpa.u1 $0x1  }
0x52: {  	[sflag:s31] =	ssyncpa.u1 $0x1  }
0x53: {  	p0 =	sne.s32 s0, $0x0;
	_ =	strace $0x9000004A  }
0x54: {  	s0 =	sadd.s32 @!p0 $0x100000, s1;
	[bflag:$0x2] =	sbarrier.arrive $0xFFFF  }
0x55: {  	[sflag:s0] =	ssyncadd.tile.s32 @!p0 $0x1;
	_ =	shalt  }
.Lfunc_end1:
_tile_overlayer_lowered:
.L_overlay_start_2:
0x56: {  	(tag) =	ssettag $0x2  }
0x57: {  	s0 =	rddreg [dreg:$0x0];
	s2 =	stileid.u32  }
0x58: {  	s1 =	rddreg [dreg:$0x1];
	p0 =	sne.s32 s2, $0x0  }
0x59: {  	s3 =	rddreg [dreg:$0x2];
	[bflag:$0x3] =	sbarrier.arrive $0xFFFF;
	s2 =	simm.s32 @!p0 $0x1C01  }
0x5a: {  	[timem:s3], [sflag:s2] =	dma.local @!p0 [hbm:s0], s1  }
0x5b: {  	s0 =	simm.s32 @!p0 $0x1  }
0x5c: {  	_ =	swait.ge @!p0 [sflag:s0], s1  }
0x5d: {  	s1 =	ssub.s32 @!p0 $0x0, s1;
	[sflag:s0] =	ssyncset.done @!p0 $0x0  }
0x5e: {  	[sflag:s0] =	ssyncadd.s32 @!p0 s1  }
0x5f: {  	[bflag:$0x3] =	sbarrier.arrive $0xFFFF  }
0x60: {  	_ =	shalt  }

</sc_bundles>
